<compile_context>
chip_gen: v7x
topology: tpu7x:2x2x1
jax: 0.10.2.dev20260603
libtpu: 0.0.44.dev20260713+nightly
codegen_flags: <defaults>
</compile_context>

<pallas_src>
import functools

import jax
import jax.numpy as jnp
from jax import lax
from jax.experimental import pallas as pl
from jax.experimental.pallas import tpu as pltpu
from jax.experimental.pallas import tpu_sc as plsc

BETA = 0.2
K = 8192
NQ = 12544
NT = 256
NW = 32
NPAD = 12800
BPW = NPAD // NW
CHUNK = 16


def _vq_argmin_body(qf_ref, cbt_ref, idx_ref):
    f32 = jnp.float32
    q = qf_ref[...]
    cbt = cbt_ref[...]
    cbx = cbt[0:1, :]
    cby = cbt[1:2, :]
    qx = q[:, 0:1]
    qy = q[:, 1:2]
    b2 = cbx * cbx + cby * cby
    a2 = qx * qx + qy * qy
    m = lax.dot_general(q.astype(jnp.bfloat16), cbt.astype(jnp.bfloat16),
                        (((1,), (0,)), ((), ())),
                        preferred_element_type=f32)
    dist = jnp.sqrt(jnp.maximum((a2 + b2) - 2.0 * m, 0.0))
    mn = jnp.min(dist, axis=1, keepdims=True)
    ii = lax.broadcasted_iota(jnp.int32, dist.shape, 1)
    idx = jnp.min(jnp.where(dist <= mn, ii, K), axis=1)
    idx_ref[...] = idx.astype(jnp.int32).reshape(NT, 1)


def _vq_argmin(qf, cbt):
    return pl.pallas_call(
        _vq_argmin_body,
        grid=(NQ // NT,),
        in_specs=[
            pl.BlockSpec((NT, 2), lambda i: (i, 0)),
            pl.BlockSpec((2, K), lambda i: (0, 0)),
        ],
        out_specs=pl.BlockSpec((NT, 1), lambda i: (i, 0)),
        out_shape=jax.ShapeDtypeStruct((NQ, 1), jnp.int32),
    )(qf, cbt)


def _sc_quantize(cbx, cby, idx, qfx, qfy):
    mesh = plsc.VectorSubcoreMesh(core_axis_name="c", subcore_axis_name="s")

    @functools.partial(
        pl.kernel,
        mesh=mesh,
        compiler_params=pltpu.CompilerParams(needs_layout_passes=False),
        out_type=[
            jax.ShapeDtypeStruct((NPAD,), jnp.float32),
            jax.ShapeDtypeStruct((NPAD,), jnp.float32),
            jax.ShapeDtypeStruct((NW, CHUNK), jnp.float32),
        ],
        scratch_types=[
            pltpu.VMEM((K,), jnp.float32),
            pltpu.VMEM((K,), jnp.float32),
            pltpu.VMEM((BPW,), jnp.int32),
            pltpu.VMEM((BPW,), jnp.float32),
            pltpu.VMEM((BPW,), jnp.float32),
            pltpu.VMEM((BPW,), jnp.float32),
            pltpu.VMEM((BPW,), jnp.float32),
            pltpu.VMEM((CHUNK,), jnp.float32),
        ],
    )
    def gather_kernel(cbx_hbm, cby_hbm, idx_hbm, qfx_hbm, qfy_hbm,
                      ox_hbm, oy_hbm, part_hbm,
                      cbx_v, cby_v, idx_v, qfx_v, qfy_v, ox_v, oy_v, acc_v):
        wid = lax.axis_index("s") * 2 + lax.axis_index("c")
        base = wid * BPW
        pltpu.sync_copy(cbx_hbm, cbx_v)
        pltpu.sync_copy(cby_hbm, cby_v)
        pltpu.sync_copy(idx_hbm.at[pl.ds(base, BPW)], idx_v)
        pltpu.sync_copy(qfx_hbm.at[pl.ds(base, BPW)], qfx_v)
        pltpu.sync_copy(qfy_hbm.at[pl.ds(base, BPW)], qfy_v)
        acc_v[...] = jnp.zeros((CHUNK,), jnp.float32)

        def body(i, carry):
            sl = pl.ds(i * CHUNK, CHUNK)
            iv = idx_v[sl]
            gx = plsc.load_gather(cbx_v, [iv])
            gy = plsc.load_gather(cby_v, [iv])
            fx = qfx_v[sl]
            fy = qfy_v[sl]
            valid = (base + i * CHUNK + lax.iota(jnp.int32, CHUNK)) < NQ
            zero = jnp.zeros((CHUNK,), jnp.float32)
            ex = jnp.where(valid, gx - fx, zero)
            ey = jnp.where(valid, gy - fy, zero)
            acc_v[...] = acc_v[...] + (ex * ex + ey * ey)
            ox_v[sl] = jnp.where(valid, fx + ex, zero)
            oy_v[sl] = jnp.where(valid, fy + ey, zero)
            return carry

        lax.fori_loop(0, BPW // CHUNK, body, 0)
        pltpu.sync_copy(ox_v, ox_hbm.at[pl.ds(base, BPW)])
        pltpu.sync_copy(oy_v, oy_hbm.at[pl.ds(base, BPW)])
        pltpu.sync_copy(acc_v, part_hbm.at[wid])

    return gather_kernel(cbx, cby, idx, qfx, qfy)


def _conv(x, w, b, stride, pad):
    y = lax.conv_general_dilated(x, w, (stride, stride), [(pad, pad), (pad, pad)],
                                 dimension_numbers=('NCHW', 'OIHW', 'NCHW'))
    return y + b[None, :, None, None]


def _conv_t(x, w, b, stride, pad):
    k = w.shape[2]
    w2 = jnp.flip(w, axis=(2, 3)).transpose(1, 0, 2, 3)
    p = k - 1 - pad
    y = lax.conv_general_dilated(x, w2, (1, 1), [(p, p), (p, p)],
                                 lhs_dilation=(stride, stride),
                                 dimension_numbers=('NCHW', 'OIHW', 'NCHW'))
    return y + b[None, :, None, None]


def _bn(x, g, b):
    m = jnp.mean(x, axis=(0, 2, 3), keepdims=True)
    v = jnp.var(x, axis=(0, 2, 3), keepdims=True)
    return (x - m) / jnp.sqrt(v + 1e-5) * g[None, :, None, None] + b[None, :, None, None]


def kernel(x, enc_w1, enc_b1, bn1_g, bn1_b, enc_w2, enc_b2, bn2_g, bn2_b,
           preq_w, preq_b, codebook, postq_w, postq_b, dec_w1, dec_b1,
           bn3_g, bn3_b, dec_w2, dec_b2):
    h = jax.nn.relu(_bn(_conv(x, enc_w1, enc_b1, 2, 1), bn1_g, bn1_b))
    h = jax.nn.relu(_bn(_conv(h, enc_w2, enc_b2, 2, 1), bn2_g, bn2_b))
    q_in = _conv(h, preq_w, preq_b, 1, 0)
    Bq, C, Hq, Wq = q_in.shape
    qf = q_in.transpose(0, 2, 3, 1).reshape(NQ, C)

    cbt = codebook.T
    idx = _vq_argmin(qf, cbt).reshape(NQ)

    pad = NPAD - NQ
    idx_p = jnp.concatenate([idx, jnp.zeros((pad,), jnp.int32)])
    qfx_p = jnp.concatenate([qf[:, 0], jnp.zeros((pad,), jnp.float32)])
    qfy_p = jnp.concatenate([qf[:, 1], jnp.zeros((pad,), jnp.float32)])
    qstx, qsty, cb_part = _sc_quantize(cbt[0], cbt[1], idx_p, qfx_p, qfy_p)
    qst = jnp.stack([qstx[:NQ], qsty[:NQ]], axis=-1)
    q_out = qst.reshape(Bq, Hq, Wq, C).transpose(0, 3, 1, 2)

    d = _conv(q_out, postq_w, postq_b, 1, 0)
    d = jax.nn.relu(_bn(_conv_t(d, dec_w1, dec_b1, 2, 1), bn3_g, bn3_b))
    out = jnp.tanh(_conv_t(d, dec_w2, dec_b2, 2, 1))

    recon = jnp.mean((out - x) ** 2)
    cb_loss = jnp.sum(cb_part) / jnp.float32(2 * NQ)
    total = recon + (cb_loss + BETA * cb_loss)
    return (out, total, (recon, cb_loss, cb_loss))

# --- scband reference (transcript-rebuilt; emitter-appended) ---
"""Pipeline reference for scband-vqvae-57793079935368 (READ-ONLY COPY).

The authoritative reference and input builder live on the scoring server;
editing this copy changes nothing except your own understanding.
"""

import jax, jax.numpy as jnp
import numpy as np

B, H, W = 4, 224, 224
K, D = 8192, 2
BETA = 0.2

def _conv(x, w, b, stride, pad):
    y = jax.lax.conv_general_dilated(x, w, (stride, stride), [(pad, pad), (pad, pad)], dimension_numbers=('NCHW', 'OIHW', 'NCHW'))
    return y + b[None, :, None, None]

def _conv_t(x, w, b, stride, pad):
    # w is PyTorch ConvTranspose2d layout: (in, out, kh, kw)
    k = w.shape[2]
    w2 = jnp.flip(w, axis=(2, 3)).transpose(1, 0, 2, 3)
    p = k - 1 - pad
    y = jax.lax.conv_general_dilated(x, w2, (1, 1), [(p, p), (p, p)], lhs_dilation=(stride, stride), dimension_numbers=('NCHW', 'OIHW', 'NCHW'))
    return y + b[None, :, None, None]

def _bn(x, g, b):
    m = jnp.mean(x, axis=(0, 2, 3), keepdims=True)
    v = jnp.var(x, axis=(0, 2, 3), keepdims=True)
    return (x - m) / jnp.sqrt(v + 1e-5) * g[None, :, None, None] + b[None, :, None, None]

def setup_inputs(seed: int = 0):
    key = jax.random.key(seed)
    ks = jax.random.split(key, 10)
    inp = {}
    inp['x'] = jax.random.normal(ks[0], (B, 1, H, W), dtype=jnp.float32)
    inp['enc_w1'] = jax.random.normal(ks[1], (16, 1, 4, 4), dtype=jnp.float32) * 0.1
    inp['enc_b1'] = jnp.zeros((16,), jnp.float32)
    inp['bn1_g'] = jnp.ones((16,), jnp.float32)
    inp['bn1_b'] = jnp.zeros((16,), jnp.float32)
    inp['enc_w2'] = jax.random.normal(ks[2], (4, 16, 4, 4), dtype=jnp.float32) * 0.05
    inp['enc_b2'] = jnp.zeros((4,), jnp.float32)
    inp['bn2_g'] = jnp.ones((4,), jnp.float32)
    inp['bn2_b'] = jnp.zeros((4,), jnp.float32)
    inp['preq_w'] = jax.random.normal(ks[3], (2, 4, 1, 1), dtype=jnp.float32) * 0.2
    inp['preq_b'] = jnp.zeros((2,), jnp.float32)
    inp['codebook'] = jax.random.normal(ks[4], (K, D), dtype=jnp.float32)
    inp['postq_w'] = jax.random.normal(ks[5], (4, 2, 1, 1), dtype=jnp.float32) * 0.2
    inp['postq_b'] = jnp.zeros((4,), jnp.float32)
    inp['dec_w1'] = jax.random.normal(ks[6], (4, 16, 4, 4), dtype=jnp.float32) * 0.05
    inp['dec_b1'] = jnp.zeros((16,), jnp.float32)
    inp['bn3_g'] = jnp.ones((16,), jnp.float32)
    inp['bn3_b'] = jnp.zeros((16,), jnp.float32)
    inp['dec_w2'] = jax.random.normal(ks[7], (16, 1, 4, 4), dtype=jnp.float32) * 0.05
    inp['dec_b2'] = jnp.zeros((1,), jnp.float32)
    return inp

def reference(x, enc_w1, enc_b1, bn1_g, bn1_b, enc_w2, enc_b2, bn2_g, bn2_b, preq_w, preq_b, codebook, postq_w, postq_b, dec_w1, dec_b1, bn3_g, bn3_b, dec_w2, dec_b2):
    # encode
    h = jax.nn.relu(_bn(_conv(x, enc_w1, enc_b1, 2, 1), bn1_g, bn1_b))
    h = jax.nn.relu(_bn(_conv(h, enc_w2, enc_b2, 2, 1), bn2_g, bn2_b))
    q_in = _conv(h, preq_w, preq_b, 1, 0)
    # vector quantize (cdist via ||a||^2 + ||b||^2 - 2ab expansion, numerically same argmin)
    Bq, C, Hq, Wq = q_in.shape
    qf = q_in.transpose(0, 2, 3, 1).reshape(Bq, Hq * Wq, C)
    a2 = jnp.sum(qf ** 2, axis=-1, keepdims=True)
    b2 = jnp.sum(codebook ** 2, axis=-1)
    d2 = a2 + b2[None, None, :] - 2.0 * jnp.einsum('bnc,kc->bnk', qf, codebook)
    dist = jnp.sqrt(jnp.maximum(d2, 0.0))
    idx = jnp.argmin(dist, axis=-1)
    quant = jnp.take(codebook, idx.reshape(-1), axis=0)
    qflat = qf.reshape(-1, C)
    cb_loss = jnp.mean((quant - jax.lax.stop_gradient(qflat)) ** 2)
    cm_loss = jnp.mean((jax.lax.stop_gradient(quant) - qflat) ** 2)
    q_loss = cb_loss + BETA * cm_loss
    q_st = qflat + jax.lax.stop_gradient(quant - qflat)
    q_out = q_st.reshape(Bq, Hq, Wq, C).transpose(0, 3, 1, 2)
    # decode
    d = _conv(q_out, postq_w, postq_b, 1, 0)
    d = jax.nn.relu(_bn(_conv_t(d, dec_w1, dec_b1, 2, 1), bn3_g, bn3_b))
    out = jnp.tanh(_conv_t(d, dec_w2, dec_b2, 2, 1))
    recon = jnp.mean((out - x) ** 2)
    total = recon + q_loss
    return (out, total, (recon, cb_loss, cm_loss))

if __name__ == "__main__":
    import jax
    _d = setup_inputs()
    print(jax.jit(kernel)(*tuple(_d.values())))

</pallas_src>

<mosaic_0001>
#map = affine_map<(d0, d1) -> (0)>
#map1 = affine_map<(d0, d1) -> (0, 0)>
module attributes {stable_mosaic.version = 14 : i64} {
  func.func @gather_kernel(%arg0: i32, %arg1: i32, %arg2: memref<8192xf32, #tpu.memory_space<hbm>>, %arg3: memref<8192xf32, #tpu.memory_space<hbm>>, %arg4: memref<12800xi32, #tpu.memory_space<hbm>>, %arg5: memref<12800xf32, #tpu.memory_space<hbm>>, %arg6: memref<12800xf32, #tpu.memory_space<hbm>>, %arg7: memref<12800xf32, #tpu.memory_space<hbm>>, %arg8: memref<12800xf32, #tpu.memory_space<hbm>>, %arg9: memref<32x16xf32, #tpu.memory_space<hbm>>, %arg10: memref<8192xf32, #tpu.memory_space<vmem>>, %arg11: memref<8192xf32, #tpu.memory_space<vmem>>, %arg12: memref<400xi32, #tpu.memory_space<vmem>>, %arg13: memref<400xf32, #tpu.memory_space<vmem>>, %arg14: memref<400xf32, #tpu.memory_space<vmem>>, %arg15: memref<400xf32, #tpu.memory_space<vmem>>, %arg16: memref<400xf32, #tpu.memory_space<vmem>>, %arg17: memref<16xf32, #tpu.memory_space<vmem>>) attributes {dimension_semantics = [#tpu.dimension_semantics<core_parallel>, #tpu.dimension_semantics<subcore_parallel>], iteration_bounds = array<i64: 2, 16>, scalar_prefetch = 0 : i64, scratch_operands = 8 : i64, tpu.core_type = #tpu.core_type<sc_vector_subcore>, window_params = [{transform_indices = #map}, {transform_indices = #map}, {transform_indices = #map}, {transform_indices = #map}, {transform_indices = #map}, {transform_indices = #map}, {transform_indices = #map}, {transform_indices = #map1}]} {
    %mul3A = arith.constant 2 : i32
    %mul3A_0 = arith.muli %arg1, %mul3A : i32
    %add3A = arith.addi %mul3A_0, %arg0 : i32
    %mul3A_1 = arith.constant 400 : i32
    %mul3A_2 = arith.muli %add3A, %mul3A_1 : i32
    "tpu.region"() ({
      %run_scoped3A = tpu.sem_alloc : memref<!tpu.dma_semaphore, #tpu.memory_space<semaphore_mem>>
      tpu.enqueue_dma source(%arg2 : memref<8192xf32, #tpu.memory_space<hbm>>) target(%arg10 : memref<8192xf32, #tpu.memory_space<vmem>>) target_semaphore(%run_scoped3A : memref<!tpu.dma_semaphore, #tpu.memory_space<semaphore_mem>>)
      tpu.wait_dma2 semaphore(%run_scoped3A : memref<!tpu.dma_semaphore, #tpu.memory_space<semaphore_mem>>) src(%arg2 : memref<8192xf32, #tpu.memory_space<hbm>>) dst(%arg10 : memref<8192xf32, #tpu.memory_space<vmem>>)
      tpu.yield
    }) : () -> ()
    "tpu.region"() ({
      %run_scoped3A = tpu.sem_alloc : memref<!tpu.dma_semaphore, #tpu.memory_space<semaphore_mem>>
      tpu.enqueue_dma source(%arg3 : memref<8192xf32, #tpu.memory_space<hbm>>) target(%arg11 : memref<8192xf32, #tpu.memory_space<vmem>>) target_semaphore(%run_scoped3A : memref<!tpu.dma_semaphore, #tpu.memory_space<semaphore_mem>>)
      tpu.wait_dma2 semaphore(%run_scoped3A : memref<!tpu.dma_semaphore, #tpu.memory_space<semaphore_mem>>) src(%arg3 : memref<8192xf32, #tpu.memory_space<hbm>>) dst(%arg11 : memref<8192xf32, #tpu.memory_space<vmem>>)
      tpu.yield
    }) : () -> ()
    "tpu.region"() ({
      %run_scoped3A = tpu.sem_alloc : memref<!tpu.dma_semaphore, #tpu.memory_space<semaphore_mem>>
      %dma_start3A = tpu.memref_slice %arg4[%mul3A_2] : memref<12800xi32, #tpu.memory_space<hbm>> -> memref<400xi32, #tpu.memory_space<hbm>>
      %dma_start3A_10 = tpu.memref_slice %arg4[%mul3A_2] : memref<12800xi32, #tpu.memory_space<hbm>> -> memref<400xi32, #tpu.memory_space<hbm>>
      tpu.enqueue_dma source(%dma_start3A_10 : memref<400xi32, #tpu.memory_space<hbm>>) target(%arg12 : memref<400xi32, #tpu.memory_space<vmem>>) target_semaphore(%run_scoped3A : memref<!tpu.dma_semaphore, #tpu.memory_space<semaphore_mem>>)
      %dma_wait3A = tpu.memref_slice %arg4[%mul3A_2] : memref<12800xi32, #tpu.memory_space<hbm>> -> memref<400xi32, #tpu.memory_space<hbm>>
      %dma_wait3A_11 = tpu.memref_slice %arg4[%mul3A_2] : memref<12800xi32, #tpu.memory_space<hbm>> -> memref<400xi32, #tpu.memory_space<hbm>>
      tpu.wait_dma2 semaphore(%run_scoped3A : memref<!tpu.dma_semaphore, #tpu.memory_space<semaphore_mem>>) src(%dma_wait3A_11 : memref<400xi32, #tpu.memory_space<hbm>>) dst(%arg12 : memref<400xi32, #tpu.memory_space<vmem>>)
      tpu.yield
    }) : () -> ()
    "tpu.region"() ({
      %run_scoped3A = tpu.sem_alloc : memref<!tpu.dma_semaphore, #tpu.memory_space<semaphore_mem>>
      %dma_start3A = tpu.memref_slice %arg5[%mul3A_2] : memref<12800xf32, #tpu.memory_space<hbm>> -> memref<400xf32, #tpu.memory_space<hbm>>
      %dma_start3A_10 = tpu.memref_slice %arg5[%mul3A_2] : memref<12800xf32, #tpu.memory_space<hbm>> -> memref<400xf32, #tpu.memory_space<hbm>>
      tpu.enqueue_dma source(%dma_start3A_10 : memref<400xf32, #tpu.memory_space<hbm>>) target(%arg13 : memref<400xf32, #tpu.memory_space<vmem>>) target_semaphore(%run_scoped3A : memref<!tpu.dma_semaphore, #tpu.memory_space<semaphore_mem>>)
      %dma_wait3A = tpu.memref_slice %arg5[%mul3A_2] : memref<12800xf32, #tpu.memory_space<hbm>> -> memref<400xf32, #tpu.memory_space<hbm>>
      %dma_wait3A_11 = tpu.memref_slice %arg5[%mul3A_2] : memref<12800xf32, #tpu.memory_space<hbm>> -> memref<400xf32, #tpu.memory_space<hbm>>
      tpu.wait_dma2 semaphore(%run_scoped3A : memref<!tpu.dma_semaphore, #tpu.memory_space<semaphore_mem>>) src(%dma_wait3A_11 : memref<400xf32, #tpu.memory_space<hbm>>) dst(%arg13 : memref<400xf32, #tpu.memory_space<vmem>>)
      tpu.yield
    }) : () -> ()
    "tpu.region"() ({
      %run_scoped3A = tpu.sem_alloc : memref<!tpu.dma_semaphore, #tpu.memory_space<semaphore_mem>>
      %dma_start3A = tpu.memref_slice %arg6[%mul3A_2] : memref<12800xf32, #tpu.memory_space<hbm>> -> memref<400xf32, #tpu.memory_space<hbm>>
      %dma_start3A_10 = tpu.memref_slice %arg6[%mul3A_2] : memref<12800xf32, #tpu.memory_space<hbm>> -> memref<400xf32, #tpu.memory_space<hbm>>
      tpu.enqueue_dma source(%dma_start3A_10 : memref<400xf32, #tpu.memory_space<hbm>>) target(%arg14 : memref<400xf32, #tpu.memory_space<vmem>>) target_semaphore(%run_scoped3A : memref<!tpu.dma_semaphore, #tpu.memory_space<semaphore_mem>>)
      %dma_wait3A = tpu.memref_slice %arg6[%mul3A_2] : memref<12800xf32, #tpu.memory_space<hbm>> -> memref<400xf32, #tpu.memory_space<hbm>>
      %dma_wait3A_11 = tpu.memref_slice %arg6[%mul3A_2] : memref<12800xf32, #tpu.memory_space<hbm>> -> memref<400xf32, #tpu.memory_space<hbm>>
      tpu.wait_dma2 semaphore(%run_scoped3A : memref<!tpu.dma_semaphore, #tpu.memory_space<semaphore_mem>>) src(%dma_wait3A_11 : memref<400xf32, #tpu.memory_space<hbm>>) dst(%arg14 : memref<400xf32, #tpu.memory_space<vmem>>)
      tpu.yield
    }) : () -> ()
    %broadcast_in_dim3A = arith.constant 0.000000e+00 : f32
    %broadcast_in_dim3A_3 = vector.broadcast %broadcast_in_dim3A : f32 to vector<16xf32>
    %swap3A = arith.constant 0 : index
    %swap3A_4 = tpu.vector_load %arg17[%swap3A] {strides = array<i32>} : memref<16xf32, #tpu.memory_space<vmem>>, vector<16xf32>,
    tpu.vector_store %arg17[%swap3A], %broadcast_in_dim3A_3 {strides = array<i32>} : memref<16xf32, #tpu.memory_space<vmem>>, vector<16xf32>,
    %scan3A = arith.constant 0 : i32
    %scan3A_5 = arith.constant 0 : i32
    %scan3A_6 = arith.constant 25 : i32
    %scan3A_7 = arith.addi %scan3A_5, %scan3A_6 : i32
    %scan3A_8 = arith.constant 1 : i32
    scf.for %scan3A_10 = %scan3A_5 to %scan3A_7 step %scan3A_8  : i32 {
      %mul3A_11 = arith.constant 16 : i32
      %mul3A_12 = arith.muli %scan3A_10, %mul3A_11 : i32
      %get3A = arith.index_cast %mul3A_12 : i32 to index
      %get3A_13 = tpu.vector_load %arg12[%get3A] {strides = array<i32>} : memref<400xi32, #tpu.memory_space<vmem>>, vector<16xi32>,
      %gather3A = tpu.vector_load_idx %arg10[%get3A_13] : memref<8192xf32, #tpu.memory_space<vmem>>[vector<16xi32>], vector<16xf32>,
      %gather3A_14 = tpu.vector_load_idx %arg11[%get3A_13] : memref<8192xf32, #tpu.memory_space<vmem>>[vector<16xi32>], vector<16xf32>,
      %get3A_15 = arith.index_cast %mul3A_12 : i32 to index
      %get3A_16 = tpu.vector_load %arg13[%get3A_15] {strides = array<i32>} : memref<400xf32, #tpu.memory_space<vmem>>, vector<16xf32>,
      %get3A_17 = arith.index_cast %mul3A_12 : i32 to index
      %get3A_18 = tpu.vector_load %arg14[%get3A_17] {strides = array<i32>} : memref<400xf32, #tpu.memory_space<vmem>>, vector<16xf32>,
      %mul3A_19 = arith.constant 16 : i32
      %mul3A_20 = arith.muli %scan3A_10, %mul3A_19 : i32
      %add3A_21 = arith.addi %mul3A_2, %mul3A_20 : i32
      %iota3A = tpu.iota {dimensions = array<i32: 0>} : vector<16xi32>
      %add3A_22 = vector.broadcast %add3A_21 : i32 to vector<16xi32>
      %add3A_23 = arith.addi %add3A_22, %iota3A : vector<16xi32>
      %lt3A = arith.constant 12544 : i32
      %lt3A_24 = vector.broadcast %lt3A : i32 to vector<16xi32>
      %lt3A_25 = arith.cmpi slt, %add3A_23, %lt3A_24 : vector<16xi32>
      %broadcast_in_dim3A_26 = arith.constant 0.000000e+00 : f32
      %broadcast_in_dim3A_27 = vector.broadcast %broadcast_in_dim3A_26 : f32 to vector<16xf32>
      %sub3A = arith.subf %gather3A, %get3A_16 : vector<16xf32>
      %select_n3A = arith.select %lt3A_25, %sub3A, %broadcast_in_dim3A_27 : vector<16xi1>, vector<16xf32>
      %sub3A_28 = arith.subf %gather3A_14, %get3A_18 : vector<16xf32>
      %select_n3A_29 = arith.select %lt3A_25, %sub3A_28, %broadcast_in_dim3A_27 : vector<16xi1>, vector<16xf32>
      %get3A_30 = arith.constant 0 : index
      %get3A_31 = tpu.vector_load %arg17[%get3A_30] {strides = array<i32>} : memref<16xf32, #tpu.memory_space<vmem>>, vector<16xf32>,
      %mul3A_32 = arith.mulf %select_n3A, %select_n3A : vector<16xf32>
      %mul3A_33 = arith.mulf %select_n3A_29, %select_n3A_29 : vector<16xf32>
      %add3A_34 = arith.addf %mul3A_32, %mul3A_33 : vector<16xf32>
      %add3A_35 = arith.addf %get3A_31, %add3A_34 : vector<16xf32>
      %swap3A_36 = arith.constant 0 : index
      %swap3A_37 = tpu.vector_load %arg17[%swap3A_36] {strides = array<i32>} : memref<16xf32, #tpu.memory_space<vmem>>, vector<16xf32>,
      tpu.vector_store %arg17[%swap3A_36], %add3A_35 {strides = array<i32>} : memref<16xf32, #tpu.memory_space<vmem>>, vector<16xf32>,
      %add3A_38 = arith.addf %get3A_16, %select_n3A : vector<16xf32>
      %select_n3A_39 = arith.select %lt3A_25, %add3A_38, %broadcast_in_dim3A_27 : vector<16xi1>, vector<16xf32>
      %swap3A_40 = arith.index_cast %mul3A_12 : i32 to index
      %swap3A_41 = tpu.vector_load %arg15[%swap3A_40] {strides = array<i32>} : memref<400xf32, #tpu.memory_space<vmem>>, vector<16xf32>,
      tpu.vector_store %arg15[%swap3A_40], %select_n3A_39 {strides = array<i32>} : memref<400xf32, #tpu.memory_space<vmem>>, vector<16xf32>,
      %add3A_42 = arith.addf %get3A_18, %select_n3A_29 : vector<16xf32>
      %select_n3A_43 = arith.select %lt3A_25, %add3A_42, %broadcast_in_dim3A_27 : vector<16xi1>, vector<16xf32>
      %swap3A_44 = arith.index_cast %mul3A_12 : i32 to index
      %swap3A_45 = tpu.vector_load %arg16[%swap3A_44] {strides = array<i32>} : memref<400xf32, #tpu.memory_space<vmem>>, vector<16xf32>,
      tpu.vector_store %arg16[%swap3A_44], %select_n3A_43 {strides = array<i32>} : memref<400xf32, #tpu.memory_space<vmem>>, vector<16xf32>,
    }
    %scan3A_9 = arith.constant 25 : i32
    "tpu.region"() ({
      %run_scoped3A = tpu.sem_alloc : memref<!tpu.dma_semaphore, #tpu.memory_space<semaphore_mem>>
      %dma_start3A = tpu.memref_slice %arg7[%mul3A_2] : memref<12800xf32, #tpu.memory_space<hbm>> -> memref<400xf32, #tpu.memory_space<hbm>>
      %dma_start3A_10 = tpu.memref_slice %arg7[%mul3A_2] : memref<12800xf32, #tpu.memory_space<hbm>> -> memref<400xf32, #tpu.memory_space<hbm>>
      tpu.enqueue_dma source(%arg15 : memref<400xf32, #tpu.memory_space<vmem>>) target(%dma_start3A_10 : memref<400xf32, #tpu.memory_space<hbm>>) target_semaphore(%run_scoped3A : memref<!tpu.dma_semaphore, #tpu.memory_space<semaphore_mem>>)
      %dma_wait3A = tpu.memref_slice %arg7[%mul3A_2] : memref<12800xf32, #tpu.memory_space<hbm>> -> memref<400xf32, #tpu.memory_space<hbm>>
      %dma_wait3A_11 = tpu.memref_slice %arg7[%mul3A_2] : memref<12800xf32, #tpu.memory_space<hbm>> -> memref<400xf32, #tpu.memory_space<hbm>>
      tpu.wait_dma2 semaphore(%run_scoped3A : memref<!tpu.dma_semaphore, #tpu.memory_space<semaphore_mem>>) src(%arg15 : memref<400xf32, #tpu.memory_space<vmem>>) dst(%dma_wait3A_11 : memref<400xf32, #tpu.memory_space<hbm>>)
      tpu.yield
    }) : () -> ()
    "tpu.region"() ({
      %run_scoped3A = tpu.sem_alloc : memref<!tpu.dma_semaphore, #tpu.memory_space<semaphore_mem>>
      %dma_start3A = tpu.memref_slice %arg8[%mul3A_2] : memref<12800xf32, #tpu.memory_space<hbm>> -> memref<400xf32, #tpu.memory_space<hbm>>
      %dma_start3A_10 = tpu.memref_slice %arg8[%mul3A_2] : memref<12800xf32, #tpu.memory_space<hbm>> -> memref<400xf32, #tpu.memory_space<hbm>>
      tpu.enqueue_dma source(%arg16 : memref<400xf32, #tpu.memory_space<vmem>>) target(%dma_start3A_10 : memref<400xf32, #tpu.memory_space<hbm>>) target_semaphore(%run_scoped3A : memref<!tpu.dma_semaphore, #tpu.memory_space<semaphore_mem>>)
      %dma_wait3A = tpu.memref_slice %arg8[%mul3A_2] : memref<12800xf32, #tpu.memory_space<hbm>> -> memref<400xf32, #tpu.memory_space<hbm>>
      %dma_wait3A_11 = tpu.memref_slice %arg8[%mul3A_2] : memref<12800xf32, #tpu.memory_space<hbm>> -> memref<400xf32, #tpu.memory_space<hbm>>
      tpu.wait_dma2 semaphore(%run_scoped3A : memref<!tpu.dma_semaphore, #tpu.memory_space<semaphore_mem>>) src(%arg16 : memref<400xf32, #tpu.memory_space<vmem>>) dst(%dma_wait3A_11 : memref<400xf32, #tpu.memory_space<hbm>>)
      tpu.yield
    }) : () -> ()
    "tpu.region"() ({
      %run_scoped3A = tpu.sem_alloc : memref<!tpu.dma_semaphore, #tpu.memory_space<semaphore_mem>>
      %dma_start3A = arith.constant 0 : i32
      %dma_start3A_10 = tpu.memref_slice %arg9[%add3A, %dma_start3A] : memref<32x16xf32, #tpu.memory_space<hbm>> -> memref<1x16xf32, #tpu.memory_space<hbm>>
      %dma_start3A_11 = tpu.memref_squeeze %dma_start3A_10 : memref<1x16xf32, #tpu.memory_space<hbm>> -> memref<16xf32, #tpu.memory_space<hbm>>
      %dma_start3A_12 = arith.constant 0 : i32
      %dma_start3A_13 = tpu.memref_slice %arg9[%add3A, %dma_start3A_12] : memref<32x16xf32, #tpu.memory_space<hbm>> -> memref<1x16xf32, #tpu.memory_space<hbm>>
      %dma_start3A_14 = tpu.memref_squeeze %dma_start3A_13 : memref<1x16xf32, #tpu.memory_space<hbm>> -> memref<16xf32, #tpu.memory_space<hbm>>
      tpu.enqueue_dma source(%arg17 : memref<16xf32, #tpu.memory_space<vmem>>) target(%dma_start3A_14 : memref<16xf32, #tpu.memory_space<hbm>>) target_semaphore(%run_scoped3A : memref<!tpu.dma_semaphore, #tpu.memory_space<semaphore_mem>>)
      %dma_wait3A = arith.constant 0 : i32
      %dma_wait3A_15 = tpu.memref_slice %arg9[%add3A, %dma_wait3A] : memref<32x16xf32, #tpu.memory_space<hbm>> -> memref<1x16xf32, #tpu.memory_space<hbm>>
      %dma_wait3A_16 = tpu.memref_squeeze %dma_wait3A_15 : memref<1x16xf32, #tpu.memory_space<hbm>> -> memref<16xf32, #tpu.memory_space<hbm>>
      %dma_wait3A_17 = arith.constant 0 : i32
      %dma_wait3A_18 = tpu.memref_slice %arg9[%add3A, %dma_wait3A_17] : memref<32x16xf32, #tpu.memory_space<hbm>> -> memref<1x16xf32, #tpu.memory_space<hbm>>
      %dma_wait3A_19 = tpu.memref_squeeze %dma_wait3A_18 : memref<1x16xf32, #tpu.memory_space<hbm>> -> memref<16xf32, #tpu.memory_space<hbm>>
      tpu.wait_dma2 semaphore(%run_scoped3A : memref<!tpu.dma_semaphore, #tpu.memory_space<semaphore_mem>>) src(%arg17 : memref<16xf32, #tpu.memory_space<vmem>>) dst(%dma_wait3A_19 : memref<16xf32, #tpu.memory_space<hbm>>)
      tpu.yield
    }) : () -> ()
    return
  }
}

module attributes {stable_mosaic.version = 14 : i64} {
  func.func @_vq_argmin_body(%arg0: i32, %arg1: memref<256x2xf32, #tpu.memory_space<vmem>>, %arg2: memref<2x8192xf32, #tpu.memory_space<vmem>>, %arg3: memref<256x1xi32, #tpu.memory_space<vmem>>) attributes {dimension_semantics = [#tpu.dimension_semantics<arbitrary>], iteration_bounds = array<i64: 49>, scalar_prefetch = 0 : i64, scratch_operands = 0 : i64, tpu.core_type = #tpu.core_type<tc>, window_params = [{transform_indices = @transform_0, window_bounds = array<i64: 256, 2>}, {pipeline_mode = #tpu.pipeline_mode<synchronous>, transform_indices = @transform_1, window_bounds = array<i64: 2, 8192>}, {transform_indices = @transform_2, window_bounds = array<i64: 256, 1>}]} {
    %get3A = arith.constant 0 : index
    %get3A_0 = arith.constant 0 : index
    %get3A_1 = vector.load %arg1[%get3A, %get3A_0] : memref<256x2xf32, #tpu.memory_space<vmem>>, vector<256x2xf32>
    %get3A_2 = arith.constant 0 : index
    %get3A_3 = arith.constant 0 : index
    %get3A_4 = vector.load %arg2[%get3A_2, %get3A_3] : memref<2x8192xf32, #tpu.memory_space<vmem>>, vector<2x8192xf32>
    %slice3A = vector.extract_strided_slice %get3A_4 {offsets = [0, 0], sizes = [1, 8192], strides = [1, 1]} : vector<2x8192xf32> to vector<1x8192xf32>
    %slice3A_5 = vector.extract_strided_slice %get3A_4 {offsets = [1, 0], sizes = [1, 8192], strides = [1, 1]} : vector<2x8192xf32> to vector<1x8192xf32>
    %slice3A_6 = vector.extract_strided_slice %get3A_1 {offsets = [0, 0], sizes = [256, 1], strides = [1, 1]} : vector<256x2xf32> to vector<256x1xf32>
    %slice3A_7 = vector.extract_strided_slice %get3A_1 {offsets = [0, 1], sizes = [256, 1], strides = [1, 1]} : vector<256x2xf32> to vector<256x1xf32>
    %mul3A = arith.mulf %slice3A, %slice3A : vector<1x8192xf32>
    %mul3A_8 = arith.mulf %slice3A_5, %slice3A_5 : vector<1x8192xf32>
    %add3A = arith.addf %mul3A, %mul3A_8 : vector<1x8192xf32>
    %mul3A_9 = arith.mulf %slice3A_6, %slice3A_6 : vector<256x1xf32>
    %mul3A_10 = arith.mulf %slice3A_7, %slice3A_7 : vector<256x1xf32>
    %add3A_11 = arith.addf %mul3A_9, %mul3A_10 : vector<256x1xf32>
    %convert_element_type3A = arith.truncf %get3A_1 : vector<256x2xf32> to vector<256x2xbf16>
    %convert_element_type3A_12 = arith.truncf %get3A_4 : vector<2x8192xf32> to vector<2x8192xbf16>
    %dot_general3A = arith.constant dense<0.000000e+00> : vector<256x8192xf32>
    %dot_general3A_13 = tpu.matmul %convert_element_type3A, %convert_element_type3A_12, %dot_general3A {dimension_numbers = #tpu.dot_dimension_numbers<[1], [0], [0], [1], [0, 0, 1, 1], [], []>, transpose_lhs_hint = false} : vector<256x2xbf16>, vector<2x8192xbf16>, vector<256x8192xf32> -> vector<256x8192xf32>
    %add3A_14 = vector.broadcast %add3A_11 : vector<256x1xf32> to vector<256x8192xf32>
    %add3A_15 = vector.broadcast %add3A : vector<1x8192xf32> to vector<256x8192xf32>
    %add3A_16 = arith.addf %add3A_14, %add3A_15 : vector<256x8192xf32>
    %mul3A_17 = arith.constant 2.000000e+00 : f32
    %mul3A_18 = vector.broadcast %mul3A_17 : f32 to vector<256x8192xf32>
    %mul3A_19 = arith.mulf %mul3A_18, %dot_general3A_13 : vector<256x8192xf32>
    %sub3A = arith.subf %add3A_16, %mul3A_19 : vector<256x8192xf32>
    %max3A = arith.constant 0.000000e+00 : f32
    %max3A_20 = vector.broadcast %max3A : f32 to vector<256x8192xf32>
    %max3A_21 = arith.maximumf %sub3A, %max3A_20 : vector<256x8192xf32>
    %sqrt3A = math.sqrt %max3A_21 : vector<256x8192xf32>
    %reduce_min3A = arith.constant dense<0x7F800000> : vector<256xf32>
    %reduce_min3A_22 = vector.multi_reduction <minimumf>, %sqrt3A, %reduce_min3A [1] : vector<256x8192xf32> to vector<256xf32>
    %broadcast_in_dim3A = vector.shape_cast %reduce_min3A_22 : vector<256xf32> to vector<256x1xf32>
    %iota3A = tpu.iota {dimensions = array<i32: 1>} : vector<256x8192xi32>
    %le3A = vector.broadcast %broadcast_in_dim3A : vector<256x1xf32> to vector<256x8192xf32>
    %le3A_23 = arith.cmpf ole, %sqrt3A, %le3A : vector<256x8192xf32>
    %jit3A = arith.constant 8192 : i32
    %broadcast_in_dim3A_24 = vector.broadcast %jit3A : i32 to vector<256x8192xi32>
    %select_n3A = arith.select %le3A_23, %iota3A, %broadcast_in_dim3A_24 : vector<256x8192xi1>, vector<256x8192xi32>
    %reduce_min3A_25 = arith.constant dense<2147483647> : vector<256xi32>
    %reduce_min3A_26 = vector.multi_reduction <minsi>, %select_n3A, %reduce_min3A_25 [1] : vector<256x8192xi32> to vector<256xi32>
    %reshape3A = vector.shape_cast %reduce_min3A_26 : vector<256xi32> to vector<256x1xi32>
    %swap3A = arith.constant 0 : index
    %swap3A_27 = arith.constant 0 : index
    %swap3A_28 = vector.load %arg3[%swap3A, %swap3A_27] : memref<256x1xi32, #tpu.memory_space<vmem>>, vector<256x1xi32>
    tpu.vector_store %arg3[%swap3A, %swap3A_27], %reshape3A {strides = array<i32>} : memref<256x1xi32, #tpu.memory_space<vmem>>, vector<256x1xi32>,
    return
  }
  func.func @transform_0(%arg0: i32) -> (i32, i32) {
    %c0_i32 = arith.constant 0 : i32
    %c0_i32_0 = arith.constant 0 : i32
    return %arg0, %c0_i32 : i32, i32
  }
  func.func @transform_1(%arg0: i32) -> (i32, i32) {
    %c0_i32 = arith.constant 0 : i32
    %c0_i32_0 = arith.constant 0 : i32
    %c0_i32_1 = arith.constant 0 : i32
    return %c0_i32, %c0_i32_0 : i32, i32
  }
  func.func @transform_2(%arg0: i32) -> (i32, i32) {
    %c0_i32 = arith.constant 0 : i32
    %c0_i32_0 = arith.constant 0 : i32
    return %arg0, %c0_i32 : i32, i32
  }
}

</mosaic_0001>

<sc_bundles>
// kernel: kernel.4.cloned.1.call-start
scs
__scs_entry_jumppad:
0x0: {  	(pc) =	sbr.rel $0x88, $3  }
0x1: {  	(tag) =	ssettag $0x0;
	lr =	simm.s32 $0x1  }
0x2: {  	[smem:$0x3F8D] =	sst lr;
	_ =	strace $0xD0000000  }
0x3: {  	_ = 	snop  }
0x4: {  	_ = 	snop  }
0x5: {  	_ = 	snop  }
0x6: {  	_ = 	snop  }
0x7: {  	_ = 	snop  }
__scs_overlays_trampoline_lowered:
0x8: {  	[smem:$0x3F9C] =	sst s0  }
0x9: {  	[smem:$0x3F9D] =	sst s1  }
0xa: {  	[smem:$0x3F9E] =	sst s2  }
0xb: {  	[smem:$0x3F9F] =	sst s3  }
0xc: {  	[smem:$0x3FA0] =	sst s4  }
0xd: {  	[smem:$0x3FA1] =	sst s5  }
0xe: {  	[smem:$0x3FA2] =	sst s6  }
0xf: {  	[smem:$0x3FA3] =	sst s7  }
0x10: {  	[smem:$0x3FA4] =	sst s8  }
0x11: {  	[smem:$0x3FA5] =	sst s9;
	s0 =	simm.s32 @!p0 $0x0  }
0x12: {  	s1 =	sld [smem:$0x3F8B];
	s0 =	simm.s32 @p0 $0x1  }
0x13: {  	[smem:$0x3FA6] =	sst s0;
	s0 =	simm.s32 @!p1 $0x0  }
0x14: {  	s2 =	sld [smem:$0x3F8A];
	s0 =	simm.s32 @p1 $0x1  }
0x15: {  	[smem:$0x3FA7] =	sst s0;
	s0 =	simm.s32 @!p2 $0x0  }
0x16: {  	s3 =	sld [smem:$0x3FDB];
	s0 =	simm.s32 @p2 $0x1  }
0x17: {  	s4 =	simm.s32 $0x1BF5;
	[smem:$0x3FA9] =	sst s0  }
0x18: {  	s0 =	sld [smem:$0x3F8C];
	_ =	swait.ge [sflag:s4], $0x0  }
0x19: {  	s7 =	sld [smem:$0x3F8D]  }
0x1a: {  	s8 =	sadd.s32 $0xFFFFE003, lr  }
0x1b: {  	s9 =	sadd.s32 $0xFFFFFEF7, lr;
	s5 =	simm.s32 $0xFFFFFFFF;
	p2 =	slt.u32 s8, $0xFFFFF086  }
0x1c: {  	p1 =	slt.u32 s9, $0xF7A;
	s5 =	simm.s32 @!p2 $0x0  }
0x1d: {  	s5 =	simm.s32 @p1 $0x1;
	p0 =	seq.s32 s7, s2  }
0x1e: {  	s7 =	smul.u32 @!p0 $0xF7A, s2;
	p2 =	seq.s32 @!p0 s5, $0x0  }
0x1f: {  	s9 =	smul.u32 $0xF7A, s1;
	s8 =	simm.s32 @!p0 $0x1BF5;
	p2 =	por !p2, p0  }
0x20: {  	[sflag:s8] =	ssyncset.s32 @!p0 $0xFFFFF086;
	s6 =	sadd.s32 @!p0 s3, s7;
	s7 =	simm.s32 @!p0 $0x108  }
0x21: {  	s3 =	sadd.s32 s3, s9;
	s6 =	sadd.s32 @!p0 $0x88, s6;
	s7 =	simm.s32 @p2 $0x1082  }
0x22: {  	[simem:s7], [sflag:s8] =	dma.local @!p0 [hbm:s6], $0xF7A  }
0x23: {  	s9 =	sor.u32 $0xD0000000, s2;
	s6 =	simm.s32 $0x108;
	_ =	swait.ge @!p0 [sflag:s8], $0x0  }
0x24: {  	s3 =	sadd.s32 $0x88, s3;
	s6 =	simm.s32 @!p1 $0x1082;
	[sflag:s4] =	ssyncset.s32 $0xFFFFF086  }
0x25: {  	[simem:s6], [sflag:s4] =	dma.local [hbm:s3], $0xF7A  }
0x26: {  	[smem:$0x3F8D] =	sst s1;
	(tag) =	ssettag s2;
	_ =	strace s9  }
0x27: {  	s1 =	sld [smem:$0x3F9D]  }
0x28: {  	s2 =	sld [smem:$0x3F9E]  }
0x29: {  	s4 =	sld [smem:$0x3FA0]  }
0x2a: {  	p0 =	seq.s32 s5, $0x0;
	s5 =	sld [smem:$0x3FA1]  }
0x2b: {  	s6 =	sld [smem:$0x3FA2]  }
0x2c: {  	s7 =	sld [smem:$0x3FA3]  }
0x2d: {  	s3 =	simm.s32 $0x108;
	s8 =	sld [smem:$0x3FA4]  }
0x2e: {  	s3 =	simm.s32 @!p0 $0x1082;
	s9 =	sld [smem:$0x3FA5]  }
0x2f: {  	lr =	sadd.s32 s0, s3;
	s0 =	sld [smem:$0x3F9C]  }
0x30: {  	s3 =	sld [smem:$0x3F9F]  }
0x31: {  	[smem:$0x3FA8] =	sst s10  }
0x32: {  	s10 =	sld [smem:$0x3FA6];
	_ =	sdelay $0x3  }
0x33: {  	p0 =	seq.s32 s10, $0x1;
	s10 =	sld [smem:$0x3FA8];
	_ =	sdelay $0x3  }
0x34: {  	[smem:$0x3FA8] =	sst s10  }
0x35: {  	s10 =	sld [smem:$0x3FA7];
	_ =	sdelay $0x3  }
0x36: {  	p1 =	seq.s32 s10, $0x1;
	s10 =	sld [smem:$0x3FA8];
	_ =	sdelay $0x3  }
0x37: {  	[smem:$0x3FA8] =	sst s10  }
0x38: {  	s10 =	sld [smem:$0x3FA9]  }
0x39: {  	_ = 	snop;
	(pc) =	sbr.ind lr, $3  }
0x3a: {  	_ = 	snop  }
0x3b: {  	_ = 	snop  }
0x3c: {  	p2 =	seq.s32 s10, $0x1;
	s10 =	sld [smem:$0x3FA8]  }
0x3d: {  	_ =	shalt  }
0x3e: {  	_ =	shalt  }
0x3f: {  	_ =	shalt  }
0x40: {  	_ =	shalt  }
0x41: {  	_ =	shalt  }
0x42: {  	_ =	shalt  }
0x43: {  	_ =	shalt  }
0x44: {  	_ =	shalt  }
0x45: {  	_ =	shalt  }
0x46: {  	_ =	shalt  }
0x47: {  	_ =	shalt  }
0x48: {  	_ =	shalt  }
0x49: {  	_ =	shalt  }
0x4a: {  	_ =	shalt  }
0x4b: {  	_ =	shalt  }
0x4c: {  	_ =	shalt  }
0x4d: {  	_ =	shalt  }
0x4e: {  	_ =	shalt  }
0x4f: {  	_ =	shalt  }
0x50: {  	_ =	shalt  }
0x51: {  	_ =	shalt  }
0x52: {  	_ =	shalt  }
0x53: {  	_ =	shalt  }
0x54: {  	_ =	shalt  }
0x55: {  	_ =	shalt  }
0x56: {  	_ =	shalt  }
0x57: {  	_ =	shalt  }
0x58: {  	_ =	shalt  }
0x59: {  	_ =	shalt  }
0x5a: {  	_ =	shalt  }
0x5b: {  	_ =	shalt  }
0x5c: {  	_ =	shalt  }
0x5d: {  	_ =	shalt  }
0x5e: {  	_ =	shalt  }
0x5f: {  	_ =	shalt  }
0x60: {  	_ =	shalt  }
0x61: {  	_ =	shalt  }
0x62: {  	_ =	shalt  }
0x63: {  	_ =	shalt  }
0x64: {  	_ =	shalt  }
0x65: {  	_ =	shalt  }
0x66: {  	_ =	shalt  }
0x67: {  	_ =	shalt  }
0x68: {  	_ =	shalt  }
0x69: {  	_ =	shalt  }
0x6a: {  	_ =	shalt  }
0x6b: {  	_ =	shalt  }
0x6c: {  	_ =	shalt  }
0x6d: {  	_ =	shalt  }
0x6e: {  	_ =	shalt  }
0x6f: {  	_ =	shalt  }
0x70: {  	_ =	shalt  }
0x71: {  	_ =	shalt  }
0x72: {  	_ =	shalt  }
0x73: {  	_ =	shalt  }
0x74: {  	_ =	shalt  }
0x75: {  	_ =	shalt  }
0x76: {  	_ =	shalt  }
0x77: {  	_ =	shalt  }
0x78: {  	_ =	shalt  }
0x79: {  	_ =	shalt  }
0x7a: {  	_ =	shalt  }
0x7b: {  	_ =	shalt  }
0x7c: {  	_ =	shalt  }
0x7d: {  	_ =	shalt  }
0x7e: {  	_ =	shalt  }
0x7f: {  	_ =	shalt  }
0x80: {  	_ =	shalt  }
0x81: {  	_ =	shalt  }
0x82: {  	_ =	shalt  }
0x83: {  	_ =	shalt  }
0x84: {  	_ =	shalt  }
0x85: {  	_ =	shalt  }
0x86: {  	_ =	shalt  }
0x87: {  	_ =	shalt  }
.Lfunc_end0:
.L_simem_size_0:
called_computation_lowered:
.L_overlay_start_0:
0x88: {  	s2 =	sld [smem:$0x3FD9]  }
0x89: {  	s3 =	sld [smem:$0x3FFE];
	_ =	sdelay $0x1  }
0x8a: {  	s1 =	srdreg.scid  }
0x8b: {  	s0 =	sand.u32 $0x1, s1  }
0x8c: {  	s14 =	sshll.u32 s0, $0xA;
	s2 =	sadd.s32 s3, s2  }
0x8d: {  	s2 =	sadd.s32 s2, s14  }
0x8e: {  	[smem:$0x3FB4] =	sst s2  }
0x8f: {  	_ = 	snop  }
0x90: {  	s2 =	sld [smem:$0x3FD0];
	_ =	sdelay $0x2  }
0x91: {  	s15 =	simm.s32 $0xA;
	s4 =	simm.s32 $0x10  }
0x92: {  	[smem:s4], [sflag:s15] =	dma.local [hbm:s2], $0x1  }
0x93: {  	_ =	swait.eq [sflag:s15], $0x1  }
0x94: {  	[sflag:s15] =	ssyncset.done $0x0  }
0x95: {  	[sflag:s15] =	ssyncadd.s32 $0xFFFFFFFF  }
0x96: {  	s16 =	sld [smem:$0x10];
	(tm) =	ssettm $0x1  }
0x97: {  	s17 =	sld [smem:$0x3FFB];
	_ =	sdelay $0x3  }
0x98: {  	_ =	strace s17  }
0x99: {  	s3 =	sld [smem:$0x3FFC];
	_ =	sdelay $0x3  }
0x9a: {  	_ =	strace s3  }
0x9b: {  	s3 =	sld [smem:$0x3FFD];
	_ =	sdelay $0x3  }
0x9c: {  	_ =	strace s3  }
0x9d: {  	_ =	strace $0x8FFFFFFF  }
0x9e: {  	s18 =	sld [smem:$0x3FDB];
	_ =	sdelay $0x1  }
0x9f: {  	s19 =	simm.s32 $_scs_section_size  }
0xa0: {  	s5 =	simm.s32 $_size__tile_overlayer_lowered;
	s6 =	simm.s32 $_tile_overlayer_lowered  }
0xa1: {  	s22 =	simm.s32 $0x1BFF;
	s21 =	sshll.u32 s6, $0x1;
	s3 =	sadd.s32 s19, s18  }
0xa2: {  	s7 =	simm.s32 $0x0;
	s20 =	sshll.u32 s5, $0x1;
	s5 =	sadd.s32 s21, s3  }
0xa3: {  	[timem:s7], [sflag:s22] =	dma.local [hbm:s5], s20  }
0xa4: {  	_ =	swait.ge [sflag:s22], s20  }
0xa5: {  	s4 =	ssub.s32 $0x0, s20;
	[sflag:s22] =	ssyncset.done $0x0  }
0xa6: {  	[sflag:s22] =	ssyncadd.s32 s4;
	_ =	sdelay $0x1  }
0xa7: {  	s23 =	simm.s32 $0x1B8B  }
0xa8: {  	_ =	swait.ge [sflag:s23], $0x1  }
0xa9: {  	[sflag:s23] =	ssyncset.done $0x0  }
0xaa: {  	s25 =	simm.s32 $0x1B8E;
	s24 =	sld [smem:$0x3FFE];
	[sflag:s23] =	ssyncadd.s32 $0xFFFFFFFF  }
0xab: {  	s26 =	simm.s32 $execute0_lowered;
	[smem:$0x3FD2] =	sst s25  }
0xac: {  	s5 =	sshll.u32 s26, $0x1;
	_ =	strace $0x80000046;
	[dreg:$0x1] =	wrdreg $0xFFFFFFFF  }
0xad: {  	s28 =	simm.s32 $_size_execute0_lowered;
	s3 =	sadd.s32 s3, s5;
	[dreg:$0x0] =	wrdreg $0x0  }
0xae: {  	s5 =	sshll.u32 s28, $0x1;
	[dreg:$0x2] =	wrdreg s3  }
0xaf: {  	[dreg:$0x3] =	wrdreg s5  }
0xb0: {  	[dreg:$0x4] =	wrdreg $0xC0  }
0xb1: {  	_ =	task [dreg:s7], $0x5FFFF  }
0xb2: {  	[dreg:$0x1] =	wrdreg $0xFFFFFFFF  }
0xb3: {  	[dreg:$0x0] =	wrdreg $0x60  }
0xb4: {  	[dreg:$0x2] =	wrdreg s24  }
0xb5: {  	[dreg:$0x3] =	wrdreg s16  }
0xb6: {  	[dreg:$0x4] =	wrdreg $0x9  }
0xb7: {  	_ =	task.clear_ibuf [dreg:s7], $0x5FFFF;
	_ =	strace $0x90000046  }
0xb8: {  	s29 =	simm.s32 $0x9;
	_ =	strace $0x80000048  }
0xb9: {  	_ =	swait.ge [sflag:s29], $0x1  }
0xba: {  	[sflag:s29] =	ssyncadd.s32 $0xFFFFFFFF  }
0xbb: {  	_ =	strace $0x90000048  }
0xbc: {  	_ =	sfence  }
0xbd: {  	s30 =	sld [smem:$0x0];
	_ =	sdelay $0x2  }
0xbe: {  	s31 =	sshll.u32 s1, $0xD;
	s1 =	sshrl.u32 s1, $0x2  }
0xbf: {  	s3 =	sand.u32 $0x4000, s31;
	s1 =	sadd.s32 s1, s30  }
0xc0: {  	s0 =	sor.u32 s3, s0;
	s1 =	sshll.u32 s1, $0x11  }
0xc1: {  	s0 =	sor.u32 s1, s0  }
0xc2: {  	s0 =	sadd.s32 $0x8F2B, s0  }
0xc3: {  	[sflag:s0] =	ssyncadd.remote.s32 $0x1  }
0xc4: {  	_ =	sfence.sel $0xFFFF  }
0xc5: {  	[dreg:$0x0] =	wrdreg $0xFFFFFFFF;
	(pc) =	sbr.abs _section_cstart, $3  }
0xc6: {  	[dreg:$0x1] =	wrdreg $0xFFFFFFFF  }
0xc7: {  	_ =	task.clear_ibuf [dreg:s7], $0x2FFFF;
	_ =	strace $0x9FFFFFFF  }
0xc8: {  	(tm) =	ssettm $0x7FFFFFFF  }
0xc9: {  	_ =	shalt  }
tec
execute0_lowered:
.L_overlay_start_1:
0x0: {  	(tag) =	ssettag $0x1  }
0x1: {  	s2 =	rddreg [dreg:$0x0]  }
0x2: {  	s1 =	srdreg.scid;
	s0 =	stileid.u32  }
0x3: {  	s5 =	rddreg [dreg:$0x1];
	s3 =	simm.s32 $0x0;
	s15 =	simm.s32 $0x4000  }
0x4: {  	s16 =	simm.s32 $0x4200;
	s17 =	simm.s32 $0x4400;
	s18 =	simm.s32 $0x4600  }
0x5: {  	s19 =	simm.s32 $0x4800;
	s20 =	simm.s32 $0x4A00;
	s21 =	simm.s32 $0x0  }
0x6: {  	s7 =	sand.u32 $0x1, s1;
	s4 =	sshll.u32 s0, $0x1;
	s1 =	rddreg [dreg:$0x2]  }
0x7: {  	[smem:$0x7FF] =	sst s3;
	s13 =	smul.u32 $0x320, s0;
	s6 =	sor.u32 s7, s4  }
0x8: {  	_ =	strace $0x80000047;
	s9 =	ssub.s32 $0x2, s7;
	s8 =	smul.u32 $0x190, s6  }
0x9: {  	s4 =	sadd.s32 $0x400, s2;
	s14 =	smul.u32 $0x190, s7;
	s11 =	sshrl.u32 s9, $0x1  }
0xa: {  	s6 =	sshll.u32 s6, $0x4;
	s11 =	ssub.s32 s9, s11;
	s8 =	sshrl.u32 s8, $0x3  }
0xb: {  	s12 =	sadd.s32 s6, s2;
	s11 =	smax.u32 s11, $0x1;
	s10 =	sadd.s32 s8, s2  }
0xc: {  	s5 =	sadd.s32 s5, s8;
	s6 =	sadd.s32 $0x800, s10;
	s7 =	sadd.s32 $0x1000, s10  }
0xd: {  	s8 =	sadd.s32 $0x1A00, s10;
	s9 =	sadd.s32 $0x2200, s10;
	s10 =	sadd.s32 $0x1800, s12  }
0xe: {  	v0 =	vimm.f32 $0.0e+00;
	s12 =	sadd.s32 s14, s13;
	s13 =	simm.s32 $0x1;
	s14 =	simm.s32 $0x2000  }
.LBB2_1:
0xf: {  	[tilespmem:s3], [sflag:$0x1] =	stream.linear.gather [hbm4b:s4+s3], $0x2000, $0x38;
	[tilespmem:$0x4A80] =	vst v63  }
0x10: {  	_ =	swait.ge [sflag:s13], $0x2000  }
0x11: {  	[sflag:s13] =	ssyncset.done $0x0  }
0x12: {  	[sflag:s13] =	ssyncadd.s32 $0xFFFFE000  }
0x13: {  	[tilespmem:s14], [sflag:$0x1] =	stream.linear.gather [hbm4b:s2+s3], $0x2000, $0x38;
	[tilespmem:$0x4A80] =	vst v63  }
0x14: {  	_ =	swait.ge [sflag:s13], $0x2000  }
0x15: {  	[sflag:s13] =	ssyncset.done $0x0  }
0x16: {  	[sflag:s13] =	ssyncadd.s32 $0xFFFFE000  }
0x17: {  	[tilespmem:s15], [sflag:$0x1] =	stream.linear.gather [hbm4b:s5+s3], $0x190, $0x38;
	[tilespmem:$0x4A80] =	vst v63  }
0x18: {  	_ =	swait.ge [sflag:s13], $0x190  }
0x19: {  	[sflag:s13] =	ssyncset.done $0x0  }
0x1a: {  	[sflag:s13] =	ssyncadd.s32 $0xFFFFFE70  }
0x1b: {  	[tilespmem:s16], [sflag:$0x1] =	stream.linear.gather [hbm4b:s6+s3], $0x190, $0x38;
	[tilespmem:$0x4A80] =	vst v63  }
0x1c: {  	_ =	swait.ge [sflag:s13], $0x190  }
0x1d: {  	[sflag:s13] =	ssyncset.done $0x0  }
0x1e: {  	[sflag:s13] =	ssyncadd.s32 $0xFFFFFE70  }
0x1f: {  	[tilespmem:s17], [sflag:$0x1] =	stream.linear.gather [hbm4b:s7+s3], $0x190, $0x38;
	[tilespmem:$0x4A80] =	vst v63  }
0x20: {  	_ =	swait.ge [sflag:s13], $0x190  }
0x21: {  	[sflag:s13] =	ssyncset.done $0x0  }
0x22: {  	[sflag:s13] =	ssyncadd.s32 $0xFFFFFE70  }
0x23: {  	s23 =	simm.s32 $0x0;
	[tilespmem:$0x4A00] =	vst v0  }
0x24: {  	v1 =	vld [tilespmem:s23+$0x4000];
	_ =	sdelay $0x5  }
0x25: {  	v2 =	vld [tilespmem:s23+$0x4400]  }
0x26: {  	v4 =	vld [tilespmem:s23+$0x4200]  }
0x27: {  	v3 =	vld.idx.msk [tilespmem:v1+s3+$0x0], $0xffff  }
0x28: {  	v1 =	vld.idx.msk [tilespmem:v1+s14+$0x0], $0xffff;
	_ =	sdelay $0x4  }
0x29: {  	v3 =	vsub.f32 v3, v4;
	v1 =	vsub.f32 v1, v2  }
0x2a: {  	p0 =	slt.u32 s12, $0x3100  }
0x2b: {  	v5 =	vld [tilespmem:$0x4A00];
	v6 =	vpsel !p0, $0x0, v3;
	v7 =	vpsel !p0, $0x0, v1  }
0x2c: {  	v6 =	vmul.f32 v6, v6;
	v7 =	vmul.f32 v7, v7;
	_ =	sdelay $0x1  }
0x2d: {  	v6 =	vadd.f32 v7, v6;
	_ =	sdelay $0x1  }
0x2e: {  	v1 =	vadd.f32 v1, v2;
	v5 =	vadd.f32 v6, v5  }
0x2f: {  	v2 =	vadd.f32 v3, v4  }
0x30: {  	s22 =	simm.s32 $0x10;
	v3 =	vpsel !p0, $0x0, v1;
	[tilespmem:$0x4A00] =	vst v5  }
0x31: {  	v2 =	vpsel !p0, $0x0, v2;
	v1 =	vld [tilespmem:s22+$0x4000];
	[tilespmem:s23+$0x4800] =	vst v3  }
0x32: {  	s24 =	simm.s32 $0x80;
	[tilespmem:s23+$0x4600] =	vst v2;
	s23 =	smov.u32 s12  }
.LBB2_2:
0x33: {  	p0 =	sne.s32 s24, $0x600;
	v2 =	vld [tilespmem:$0x4A00];
	_ =	sdelay $0x4  }
0x34: {  	v3 =	vld [tilespmem:s22+$0x4400]  }
0x35: {  	v4 =	vld.idx.msk [tilespmem:v1+s3+$0x0], $0xffff  }
0x36: {  	v1 =	vld.idx.msk [tilespmem:v1+s14+$0x0], $0xffff  }
0x37: {  	v5 =	vld [tilespmem:s22+$0x4200];
	_ =	sdelay $0x4  }
0x38: {  	s23 =	sadd.s32 $0x10, s23;
	v1 =	vsub.f32 v1, v3;
	v4 =	vsub.f32 v4, v5  }
0x39: {  	p1 =	slt.u32 s23, $0x3100  }
0x3a: {  	v7 =	vpsel !p1, $0x0, v1;
	v6 =	vpsel !p1, $0x0, v4;
	v4 =	vadd.f32 v4, v5  }
0x3b: {  	v5 =	vmul.f32 v6, v6;
	v6 =	vmul.f32 v7, v7  }
0x3c: {  	v4 =	vpsel !p1, $0x0, v4  }
0x3d: {  	v5 =	vadd.f32 v6, v5;
	_ =	sdelay $0x1  }
.Ltmp0:
0x3e: {  	v1 =	vadd.f32 v1, v3;
	v2 =	vadd.f32 v5, v2;
	(pc) =	sbr.rel @p0 .LBB2_2-.Ltmp0, $4  }
0x3f: {  	_ = 	snop  }
0x40: {  	s25 =	sshra.s32 s24, $0x2;
	[tilespmem:$0x4A00] =	vst v2;
	v2 =	vpsel !p1, $0x0, v1  }
0x41: {  	v1 =	vld [tilespmem:s25+$0x4000];
	[tilespmem:s22+$0x4800] =	vst v2  }
0x42: {  	s24 =	sadd.s32 $0x40, s24;
	[tilespmem:s22+$0x4600] =	vst v4;
	s22 =	smov.u32 s25  }
0x43: {  	_ =	sdelay $0x4  }
0x44: {  	v2 =	vld [tilespmem:s22+$0x4400]  }
0x45: {  	v4 =	vld [tilespmem:s22+$0x4200]  }
0x46: {  	v3 =	vld.idx.msk [tilespmem:v1+s3+$0x0], $0xffff  }
0x47: {  	v1 =	vld.idx.msk [tilespmem:v1+s14+$0x0], $0xffff;
	_ =	sdelay $0x4  }
0x48: {  	s23 =	sadd.s32 $0x10, s23;
	v3 =	vsub.f32 v3, v4;
	v1 =	vsub.f32 v1, v2  }
0x49: {  	p0 =	slt.u32 s23, $0x3100  }
0x4a: {  	v5 =	vld [tilespmem:$0x4A00];
	v6 =	vpsel !p0, $0x0, v3;
	v7 =	vpsel !p0, $0x0, v1  }
0x4b: {  	v6 =	vmul.f32 v6, v6;
	v7 =	vmul.f32 v7, v7;
	_ =	sdelay $0x1  }
0x4c: {  	v6 =	vadd.f32 v7, v6;
	_ =	sdelay $0x1  }
0x4d: {  	v1 =	vadd.f32 v1, v2;
	v5 =	vadd.f32 v6, v5  }
0x4e: {  	v2 =	vadd.f32 v3, v4  }
0x4f: {  	v1 =	vpsel !p0, $0x0, v1;
	[tilespmem:$0x4A00] =	vst v5  }
0x50: {  	v2 =	vpsel !p0, $0x0, v2;
	[tilespmem:s22+$0x4800] =	vst v1  }
0x51: {  	[tilespmem:s22+$0x4600] =	vst v2  }
0x52: {  	[hbm4b:s8+s3] =	stream.linear.scatter [tilespmem:s18], [sflag:$0x1], $0x190, $0x38;
	[tilespmem:$0x4A80] =	vst v63  }
0x53: {  	_ =	swait.ge [sflag:s13], $0x190  }
0x54: {  	[sflag:s13] =	ssyncset.done $0x0  }
0x55: {  	[sflag:s13] =	ssyncadd.s32 $0xFFFFFE70  }
0x56: {  	[hbm4b:s9+s3] =	stream.linear.scatter [tilespmem:s19], [sflag:$0x1], $0x190, $0x38;
	[tilespmem:$0x4A80] =	vst v63  }
0x57: {  	s21 =	sadd.s32 $0x1, s21;
	_ =	swait.ge [sflag:s13], $0x190  }
0x58: {  	p0 =	sne.s32 s21, s11;
	[sflag:s13] =	ssyncset.done $0x0  }
.Ltmp1:
0x59: {  	[sflag:s13] =	ssyncadd.s32 $0xFFFFFE70;
	(pc) =	sbr.rel @p0 .LBB2_1-.Ltmp1, $4  }
0x5a: {  	[hbm4b:s10+s3] =	stream.linear.scatter [tilespmem:s20], [sflag:$0x1], $0x80, $0x38;
	[tilespmem:$0x4A80] =	vst v63  }
0x5b: {  	_ =	swait.ge [sflag:s13], $0x80  }
0x5c: {  	[sflag:s13] =	ssyncset.done $0x0  }
0x5d: {  	[sflag:s13] =	ssyncadd.s32 $0xFFFFFF80  }
0x5e: {  	_ =	sfence.sel $0x180000  }
0x5f: {  	[bflag:$0x0] =	sbarrier.arrive $0xFFFF  }
0x60: {  	p0 =	sne.s32 s0, $0x0;
	_ =	strace $0x90000047  }
0x61: {  	s0 =	sadd.s32 @!p0 $0x100000, s1;
	[bflag:$0x2] =	sbarrier.arrive $0xFFFF  }
0x62: {  	[sflag:s0] =	ssyncadd.tile.s32 @!p0 $0x1;
	_ =	shalt  }
.Lfunc_end2:
_tile_overlayer_lowered:
.L_overlay_start_2:
0x63: {  	(tag) =	ssettag $0x2  }
0x64: {  	s0 =	rddreg [dreg:$0x0];
	s2 =	stileid.u32  }
0x65: {  	s1 =	rddreg [dreg:$0x1];
	p0 =	sne.s32 s2, $0x0  }
0x66: {  	s3 =	rddreg [dreg:$0x2];
	[bflag:$0x3] =	sbarrier.arrive $0xFFFF;
	s2 =	simm.s32 @!p0 $0x1C01  }
0x67: {  	[timem:s3], [sflag:s2] =	dma.local @!p0 [hbm:s0], s1  }
0x68: {  	s0 =	simm.s32 @!p0 $0x1  }
0x69: {  	_ =	swait.ge @!p0 [sflag:s0], s1  }
0x6a: {  	s1 =	ssub.s32 @!p0 $0x0, s1;
	[sflag:s0] =	ssyncset.done @!p0 $0x0  }
0x6b: {  	[sflag:s0] =	ssyncadd.s32 @!p0 s1  }
0x6c: {  	[bflag:$0x3] =	sbarrier.arrive $0xFFFF  }
0x6d: {  	_ =	shalt  }

</sc_bundles>
